<compile_context>
chip_gen: v7x
topology: tpu7x:2x2x1
jax: 0.10.2.dev20260603
libtpu: 0.0.44.dev20260713+nightly
codegen_flags: <defaults>
</compile_context>

<pallas_src>
import functools

import jax
import jax.numpy as jnp
from jax import lax
from jax.experimental import pallas as pl
from jax.experimental.pallas import tpu as pltpu
from jax.experimental.pallas import tpu_sc as plsc

_EMBED_DIM = 128
_CH = 64
_TABLE = 512


def _table_body(freq_ref, out_ref):
    freq2 = freq_ref[0:1, :]
    pos = lax.broadcasted_iota(jnp.int32, (_TABLE, _CH), 0).astype(jnp.float32)
    arg = pos * freq2
    odd = (lax.broadcasted_iota(jnp.int32, (_TABLE, _CH), 1) % 2) == 1
    out_ref[...] = jnp.where(odd, jnp.cos(arg), jnp.sin(arg))


def _build_table(freq_blk):
    return pl.pallas_call(
        _table_body,
        out_shape=jax.ShapeDtypeStruct((_TABLE, _CH), jnp.float32),
    )(freq_blk)


@functools.cache
def _sc_num_workers():
    info = plsc.get_sparse_core_info()
    return info.num_cores, info.num_cores * info.num_subcores


@functools.cache
def _sc_gather_call(n_idx):
    nc, nw = _sc_num_workers()
    per_w = n_idx // nw
    per_o = per_w // 2
    n_out = n_idx // 2
    mesh = plsc.VectorSubcoreMesh(core_axis_name="c", subcore_axis_name="s")

    @functools.partial(
        pl.kernel,
        mesh=mesh,
        out_type=jax.ShapeDtypeStruct((n_out, _EMBED_DIM), jnp.float32),
        scratch_types=[
            pltpu.VMEM((per_w,), jnp.int32),
            pltpu.VMEM((per_w, _CH), jnp.float32),
            pltpu.VMEM_SHARED((_TABLE, _CH), jnp.float32),
            pltpu.SemaphoreType.DMA,
            pltpu.SemaphoreType.DMA,
        ],
        compiler_params=pltpu.CompilerParams(use_tc_tiling_on_sc=False),
    )
    def gather(table_hbm, idx_hbm, out_hbm, idx_v, buf, table_sh,
               sem_g, sem_o):
        wid = lax.axis_index("s") * nc + lax.axis_index("c")
        base = wid * per_o
        sid = lax.axis_index("s")
        half = _TABLE // 2

        @pl.when(sid < 2)
        def _():
            pltpu.sync_copy(table_hbm.at[pl.ds(sid * half, half)],
                            table_sh.at[pl.ds(sid * half, half)])
        pltpu.sync_copy(idx_hbm.at[pl.ds(wid * per_w, per_w)], idx_v)
        plsc.subcore_barrier()
        pltpu.async_copy(table_sh.at[idx_v], buf, sem_g).wait()
        wh = pltpu.async_copy(
            buf.at[pl.ds(0, per_o), :],
            out_hbm.at[pl.ds(base, per_o), pl.ds(0, _CH)], sem_o)
        ww = pltpu.async_copy(
            buf.at[pl.ds(per_o, per_o), :],
            out_hbm.at[pl.ds(base, per_o), pl.ds(_CH, _CH)], sem_o)
        wh.wait()
        ww.wait()

    return gather


def kernel(coord_idx, inv_freq):
    freq_blk = jnp.broadcast_to(jnp.repeat(inv_freq, 2)[None, :], (8, _CH))
    table = _build_table(freq_blk)
    n_idx = coord_idx.size
    _, nw = _sc_num_workers()
    per_o = n_idx // 2 // nw
    hw = jnp.transpose(coord_idx.reshape(nw, per_o, 2), (0, 2, 1))
    return _sc_gather_call(n_idx)(table, hw.reshape(n_idx))

# --- scband reference (transcript-rebuilt; emitter-appended) ---
"""Pipeline reference for scband-static-positional-encoding-82463372083977 (READ-ONLY COPY).

The authoritative reference and input builder live on the scoring server;
editing this copy changes nothing except your own understanding.
"""

import jax, jax.numpy as jnp
import numpy as np
import math

EMBED_DIM = 128
CHANNELS = int(math.ceil(EMBED_DIM / 4) * 2)  # PositionalEncoding2D internal channels = 64


def _get_emb(sin_inp):
    # interleaved sin/cos, matches positional_encodings.get_emb
    emb = jnp.stack((jnp.sin(sin_inp), jnp.cos(sin_inp)), axis=-1)
    return emb.reshape(sin_inp.shape[:-1] + (sin_inp.shape[-1] * 2,))


def setup_inputs(seed: int = 0) -> dict:
    key = jax.random.key(seed)
    coord_idx = jax.random.randint(key, (16, 1024, 2), 0, 512, dtype=jnp.int32)
    # buffer of PositionalEncoding2D (non-trainable in torch, but a real float param of the op)
    inv_freq = (1.0 / (10000.0 ** (np.arange(0, CHANNELS, 2, dtype=np.float32) / CHANNELS))).astype(np.float32)
    inv_freq = jnp.asarray(inv_freq)
    return {"coord_idx": coord_idx, "inv_freq": inv_freq}


def reference(coord_idx, inv_freq):
    flat = coord_idx.reshape(-1, 2)
    pos_h = flat[:, 0].astype(jnp.float32)
    pos_w = flat[:, 1].astype(jnp.float32)
    sin_inp_x = pos_h[:, None] * inv_freq[None, :]  # (B*N, CHANNELS//2)
    sin_inp_y = pos_w[:, None] * inv_freq[None, :]  # (B*N, CHANNELS//2)
    emb_x = _get_emb(sin_inp_x)  # (B*N, CHANNELS)
    emb_y = _get_emb(sin_inp_y)  # (B*N, CHANNELS)
    emb = jnp.concatenate((emb_x, emb_y), axis=-1)  # (B*N, 2*CHANNELS)
    position = emb[:, :EMBED_DIM]  # channel truncation, (B*N, EMBED_DIM)
    return position

if __name__ == "__main__":
    import jax
    _d = setup_inputs()
    print(jax.jit(kernel)(*tuple(_d.values())))

</pallas_src>

<mosaic_0001>
#map = affine_map<(d0, d1) -> (0, 0)>
#map1 = affine_map<(d0, d1) -> (0)>
module attributes {stable_mosaic.version = 14 : i64} {
  func.func @gather(%arg0: i32, %arg1: i32, %arg2: memref<512x64xf32, #tpu.memory_space<hbm>>, %arg3: memref<32768xi32, #tpu.memory_space<hbm>>, %arg4: memref<16384x128xf32, #tpu.memory_space<hbm>>, %arg5: memref<1024xi32, #tpu.memory_space<vmem>>, %arg6: memref<1024x64xf32, #tpu.memory_space<vmem>>, %arg7: memref<512x64xf32, #tpu.memory_space<vmem_shared>>, %arg8: memref<!tpu.dma_semaphore, #tpu.memory_space<semaphore_mem>>, %arg9: memref<!tpu.dma_semaphore, #tpu.memory_space<semaphore_mem>>) attributes {dimension_semantics = [#tpu.dimension_semantics<core_parallel>, #tpu.dimension_semantics<subcore_parallel>], iteration_bounds = array<i64: 2, 16>, scalar_prefetch = 0 : i64, scratch_operands = 5 : i64, tpu.core_type = #tpu.core_type<sc_vector_subcore>, window_params = [{transform_indices = #map}, {transform_indices = #map1}, {transform_indices = #map}]} {
    %mul3A = arith.constant 2 : i32
    %mul3A_0 = arith.muli %arg1, %mul3A : i32
    %add3A = arith.addi %mul3A_0, %arg0 : i32
    %mul3A_1 = arith.constant 512 : i32
    %mul3A_2 = arith.muli %add3A, %mul3A_1 : i32
    %lt3A = arith.constant 2 : i32
    %lt3A_3 = arith.cmpi slt, %arg1, %lt3A : i32
    %convert_element_type3A = arith.extui %lt3A_3 : i1 to i32
    %cond3A = arith.constant 0 : i32
    %cond3A_4 = arith.cmpi ne, %convert_element_type3A, %cond3A : i32
    scf.if %cond3A_4 {
      %mul3A_51 = arith.constant 256 : i32
      %mul3A_52 = arith.muli %arg1, %mul3A_51 : i32
      %mul3A_53 = arith.constant 256 : i32
      %mul3A_54 = arith.muli %arg1, %mul3A_53 : i32
      "tpu.region"() ({
        %run_scoped3A = tpu.sem_alloc : memref<!tpu.dma_semaphore, #tpu.memory_space<semaphore_mem>>
        %dma_start3A_55 = arith.constant 0 : i32
        %dma_start3A_56 = tpu.memref_slice %arg7[%mul3A_54, %dma_start3A_55] : memref<512x64xf32, #tpu.memory_space<vmem_shared>> -> memref<256x64xf32, #tpu.memory_space<vmem_shared>>
        %dma_start3A_57 = arith.constant 0 : i32
        %dma_start3A_58 = tpu.memref_slice %arg2[%mul3A_52, %dma_start3A_57] : memref<512x64xf32, #tpu.memory_space<hbm>> -> memref<256x64xf32, #tpu.memory_space<hbm>>
        tpu.enqueue_dma source(%dma_start3A_58 : memref<256x64xf32, #tpu.memory_space<hbm>>) target(%dma_start3A_56 : memref<256x64xf32, #tpu.memory_space<vmem_shared>>) target_semaphore(%run_scoped3A : memref<!tpu.dma_semaphore, #tpu.memory_space<semaphore_mem>>)
        %dma_wait3A_59 = arith.constant 0 : i32
        %dma_wait3A_60 = tpu.memref_slice %arg7[%mul3A_54, %dma_wait3A_59] : memref<512x64xf32, #tpu.memory_space<vmem_shared>> -> memref<256x64xf32, #tpu.memory_space<vmem_shared>>
        %dma_wait3A_61 = arith.constant 0 : i32
        %dma_wait3A_62 = tpu.memref_slice %arg2[%mul3A_52, %dma_wait3A_61] : memref<512x64xf32, #tpu.memory_space<hbm>> -> memref<256x64xf32, #tpu.memory_space<hbm>>
        tpu.wait_dma2 semaphore(%run_scoped3A : memref<!tpu.dma_semaphore, #tpu.memory_space<semaphore_mem>>) src(%dma_wait3A_62 : memref<256x64xf32, #tpu.memory_space<hbm>>) dst(%dma_wait3A_60 : memref<256x64xf32, #tpu.memory_space<vmem_shared>>)
        tpu.yield
      }) : () -> ()
    } else {
    }
    %mul3A_5 = arith.constant 1024 : i32
    %mul3A_6 = arith.muli %add3A, %mul3A_5 : i32
    "tpu.region"() ({
      %run_scoped3A = tpu.sem_alloc : memref<!tpu.dma_semaphore, #tpu.memory_space<semaphore_mem>>
      %dma_start3A_51 = tpu.memref_slice %arg3[%mul3A_6] : memref<32768xi32, #tpu.memory_space<hbm>> -> memref<1024xi32, #tpu.memory_space<hbm>>
      %dma_start3A_52 = tpu.memref_slice %arg3[%mul3A_6] : memref<32768xi32, #tpu.memory_space<hbm>> -> memref<1024xi32, #tpu.memory_space<hbm>>
      tpu.enqueue_dma source(%dma_start3A_52 : memref<1024xi32, #tpu.memory_space<hbm>>) target(%arg5 : memref<1024xi32, #tpu.memory_space<vmem>>) target_semaphore(%run_scoped3A : memref<!tpu.dma_semaphore, #tpu.memory_space<semaphore_mem>>)
      %dma_wait3A_53 = tpu.memref_slice %arg3[%mul3A_6] : memref<32768xi32, #tpu.memory_space<hbm>> -> memref<1024xi32, #tpu.memory_space<hbm>>
      %dma_wait3A_54 = tpu.memref_slice %arg3[%mul3A_6] : memref<32768xi32, #tpu.memory_space<hbm>> -> memref<1024xi32, #tpu.memory_space<hbm>>
      tpu.wait_dma2 semaphore(%run_scoped3A : memref<!tpu.dma_semaphore, #tpu.memory_space<semaphore_mem>>) src(%dma_wait3A_54 : memref<1024xi32, #tpu.memory_space<hbm>>) dst(%arg5 : memref<1024xi32, #tpu.memory_space<vmem>>)
      tpu.yield
    }) : () -> ()
    %barrier3A = arith.constant 0 : index
    tpu.barrier barrier_id(%barrier3A)
    %dma_start3A = arith.constant 0 : i32
    %dma_start3A_7 = arith.constant 0 : i32
    %dma_start3A_8 = tpu.memref_slice %arg7[%dma_start3A, %dma_start3A_7] : memref<512x64xf32, #tpu.memory_space<vmem_shared>> -> memref<512x64xf32, #tpu.memory_space<vmem_shared>>
    tpu.enqueue_indirect_dma source(%dma_start3A_8 : memref<512x64xf32, #tpu.memory_space<vmem_shared>>) target(%arg6 : memref<1024x64xf32, #tpu.memory_space<vmem>>) offsets(%arg5 : memref<1024xi32, #tpu.memory_space<vmem>>) semaphore(%arg8 : memref<!tpu.dma_semaphore, #tpu.memory_space<semaphore_mem>>)
    %dma_wait3A = arith.constant 0 : i32
    %dma_wait3A_9 = arith.constant 0 : i32
    %dma_wait3A_10 = tpu.memref_slice %arg7[%dma_wait3A, %dma_wait3A_9] : memref<512x64xf32, #tpu.memory_space<vmem_shared>> -> memref<512x64xf32, #tpu.memory_space<vmem_shared>>
    tpu.wait_indirect_dma semaphore(%arg8 : memref<!tpu.dma_semaphore, #tpu.memory_space<semaphore_mem>>) src(%dma_wait3A_10 : memref<512x64xf32, #tpu.memory_space<vmem_shared>>) dst(%arg6 : memref<1024x64xf32, #tpu.memory_space<vmem>>)
    %dma_start3A_11 = arith.constant 0 : i32
    %dma_start3A_12 = arith.constant 0 : i32
    %dma_start3A_13 = tpu.memref_slice %arg6[%dma_start3A_11, %dma_start3A_12] : memref<1024x64xf32, #tpu.memory_space<vmem>> -> memref<512x64xf32, #tpu.memory_space<vmem>>
    %dma_start3A_14 = arith.constant 0 : i32
    %dma_start3A_15 = tpu.memref_slice %arg4[%mul3A_2, %dma_start3A_14] : memref<16384x128xf32, #tpu.memory_space<hbm>> -> memref<512x64xf32, #tpu.memory_space<hbm>>
    %dma_start3A_16 = arith.constant 0 : i32
    %dma_start3A_17 = tpu.memref_slice %arg4[%mul3A_2, %dma_start3A_16] : memref<16384x128xf32, #tpu.memory_space<hbm>> -> memref<512x64xf32, #tpu.memory_space<hbm>>
    %dma_start3A_18 = arith.constant 0 : i32
    %dma_start3A_19 = arith.constant 0 : i32
    %dma_start3A_20 = tpu.memref_slice %arg6[%dma_start3A_18, %dma_start3A_19] : memref<1024x64xf32, #tpu.memory_space<vmem>> -> memref<512x64xf32, #tpu.memory_space<vmem>>
    tpu.enqueue_dma source(%dma_start3A_20 : memref<512x64xf32, #tpu.memory_space<vmem>>) target(%dma_start3A_17 : memref<512x64xf32, #tpu.memory_space<hbm>>) target_semaphore(%arg9 : memref<!tpu.dma_semaphore, #tpu.memory_space<semaphore_mem>>)
    %dma_start3A_21 = arith.constant 512 : i32
    %dma_start3A_22 = arith.constant 0 : i32
    %dma_start3A_23 = tpu.memref_slice %arg6[%dma_start3A_21, %dma_start3A_22] : memref<1024x64xf32, #tpu.memory_space<vmem>> -> memref<512x64xf32, #tpu.memory_space<vmem>>
    %dma_start3A_24 = arith.constant 64 : i32
    %dma_start3A_25 = tpu.memref_slice %arg4[%mul3A_2, %dma_start3A_24] : memref<16384x128xf32, #tpu.memory_space<hbm>> -> memref<512x64xf32, #tpu.memory_space<hbm>>
    %dma_start3A_26 = arith.constant 64 : i32
    %dma_start3A_27 = tpu.memref_slice %arg4[%mul3A_2, %dma_start3A_26] : memref<16384x128xf32, #tpu.memory_space<hbm>> -> memref<512x64xf32, #tpu.memory_space<hbm>>
    %dma_start3A_28 = arith.constant 512 : i32
    %dma_start3A_29 = arith.constant 0 : i32
    %dma_start3A_30 = tpu.memref_slice %arg6[%dma_start3A_28, %dma_start3A_29] : memref<1024x64xf32, #tpu.memory_space<vmem>> -> memref<512x64xf32, #tpu.memory_space<vmem>>
    tpu.enqueue_dma source(%dma_start3A_30 : memref<512x64xf32, #tpu.memory_space<vmem>>) target(%dma_start3A_27 : memref<512x64xf32, #tpu.memory_space<hbm>>) target_semaphore(%arg9 : memref<!tpu.dma_semaphore, #tpu.memory_space<semaphore_mem>>)
    %dma_wait3A_31 = arith.constant 0 : i32
    %dma_wait3A_32 = arith.constant 0 : i32
    %dma_wait3A_33 = tpu.memref_slice %arg6[%dma_wait3A_31, %dma_wait3A_32] : memref<1024x64xf32, #tpu.memory_space<vmem>> -> memref<512x64xf32, #tpu.memory_space<vmem>>
    %dma_wait3A_34 = arith.constant 0 : i32
    %dma_wait3A_35 = tpu.memref_slice %arg4[%mul3A_2, %dma_wait3A_34] : memref<16384x128xf32, #tpu.memory_space<hbm>> -> memref<512x64xf32, #tpu.memory_space<hbm>>
    %dma_wait3A_36 = arith.constant 0 : i32
    %dma_wait3A_37 = tpu.memref_slice %arg4[%mul3A_2, %dma_wait3A_36] : memref<16384x128xf32, #tpu.memory_space<hbm>> -> memref<512x64xf32, #tpu.memory_space<hbm>>
    %dma_wait3A_38 = arith.constant 0 : i32
    %dma_wait3A_39 = arith.constant 0 : i32
    %dma_wait3A_40 = tpu.memref_slice %arg6[%dma_wait3A_38, %dma_wait3A_39] : memref<1024x64xf32, #tpu.memory_space<vmem>> -> memref<512x64xf32, #tpu.memory_space<vmem>>
    tpu.wait_dma2 semaphore(%arg9 : memref<!tpu.dma_semaphore, #tpu.memory_space<semaphore_mem>>) src(%dma_wait3A_40 : memref<512x64xf32, #tpu.memory_space<vmem>>) dst(%dma_wait3A_37 : memref<512x64xf32, #tpu.memory_space<hbm>>)
    %dma_wait3A_41 = arith.constant 512 : i32
    %dma_wait3A_42 = arith.constant 0 : i32
    %dma_wait3A_43 = tpu.memref_slice %arg6[%dma_wait3A_41, %dma_wait3A_42] : memref<1024x64xf32, #tpu.memory_space<vmem>> -> memref<512x64xf32, #tpu.memory_space<vmem>>
    %dma_wait3A_44 = arith.constant 64 : i32
    %dma_wait3A_45 = tpu.memref_slice %arg4[%mul3A_2, %dma_wait3A_44] : memref<16384x128xf32, #tpu.memory_space<hbm>> -> memref<512x64xf32, #tpu.memory_space<hbm>>
    %dma_wait3A_46 = arith.constant 64 : i32
    %dma_wait3A_47 = tpu.memref_slice %arg4[%mul3A_2, %dma_wait3A_46] : memref<16384x128xf32, #tpu.memory_space<hbm>> -> memref<512x64xf32, #tpu.memory_space<hbm>>
    %dma_wait3A_48 = arith.constant 512 : i32
    %dma_wait3A_49 = arith.constant 0 : i32
    %dma_wait3A_50 = tpu.memref_slice %arg6[%dma_wait3A_48, %dma_wait3A_49] : memref<1024x64xf32, #tpu.memory_space<vmem>> -> memref<512x64xf32, #tpu.memory_space<vmem>>
    tpu.wait_dma2 semaphore(%arg9 : memref<!tpu.dma_semaphore, #tpu.memory_space<semaphore_mem>>) src(%dma_wait3A_50 : memref<512x64xf32, #tpu.memory_space<vmem>>) dst(%dma_wait3A_47 : memref<512x64xf32, #tpu.memory_space<hbm>>)
    return
  }
}

module attributes {stable_mosaic.version = 14 : i64} {
  func.func @_table_body(%arg0: memref<8x64xf32, #tpu.memory_space<vmem>>, %arg1: memref<512x64xf32, #tpu.memory_space<vmem>>) attributes {dimension_semantics = [], scalar_prefetch = 0 : i64, scratch_operands = 0 : i64, tpu.core_type = #tpu.core_type<tc>} {
    %get3A = arith.constant 0 : index
    %get3A_0 = arith.constant 0 : index
    %get3A_1 = vector.load %arg0[%get3A, %get3A_0] : memref<8x64xf32, #tpu.memory_space<vmem>>, vector<1x64xf32>
    %iota3A = tpu.iota {dimensions = array<i32: 0>} : vector<512x64xi32>
    %convert_element_type3A = arith.sitofp %iota3A : vector<512x64xi32> to vector<512x64xf32>
    %mul3A = vector.broadcast %get3A_1 : vector<1x64xf32> to vector<512x64xf32>
    %mul3A_2 = arith.mulf %convert_element_type3A, %mul3A : vector<512x64xf32>
    %iota3A_3 = tpu.iota {dimensions = array<i32: 1>} : vector<512x64xi32>
    %jit3A = arith.constant 2 : i32
    %eq3A = arith.constant 0 : i32
    %eq3A_4 = arith.cmpi eq, %jit3A, %eq3A : i32
    %jit3A_5 = arith.constant 1 : i32
    %select_n3A = arith.select %eq3A_4, %jit3A_5, %jit3A : i32
    %rem3A = vector.broadcast %select_n3A : i32 to vector<512x64xi32>
    %rem3A_6 = arith.remsi %iota3A_3, %rem3A : vector<512x64xi32>
    %ne3A = arith.constant 0 : i32
    %ne3A_7 = vector.broadcast %ne3A : i32 to vector<512x64xi32>
    %ne3A_8 = arith.cmpi ne, %rem3A_6, %ne3A_7 : vector<512x64xi32>
    %lt3A = arith.constant 0 : i32
    %lt3A_9 = vector.broadcast %lt3A : i32 to vector<512x64xi32>
    %lt3A_10 = arith.cmpi slt, %rem3A_6, %lt3A_9 : vector<512x64xi32>
    %lt3A_11 = arith.constant 0 : i32
    %lt3A_12 = arith.cmpi slt, %select_n3A, %lt3A_11 : i32
    %ne3A_13 = vector.broadcast %lt3A_12 : i1 to vector<512x64xi1>
    %ne3A_14 = vector.broadcast %ne3A_13 : vector<512x64xi1> to vector<512x64xi1>
    %ne3A_15 = arith.xori %lt3A_10, %ne3A_14 : vector<512x64xi1>
    %and3A = arith.andi %ne3A_15, %ne3A_8 : vector<512x64xi1>
    %add3A = vector.broadcast %select_n3A : i32 to vector<512x64xi32>
    %add3A_16 = arith.addi %rem3A_6, %add3A : vector<512x64xi32>
    %select_n3A_17 = arith.select %and3A, %add3A_16, %rem3A_6 : vector<512x64xi1>, vector<512x64xi32>
    %eq3A_18 = arith.constant 1 : i32
    %eq3A_19 = vector.broadcast %eq3A_18 : i32 to vector<512x64xi32>
    %eq3A_20 = arith.cmpi eq, %select_n3A_17, %eq3A_19 : vector<512x64xi32>
    %cos3A = math.cos %mul3A_2 : vector<512x64xf32>
    %sin3A = math.sin %mul3A_2 : vector<512x64xf32>
    %select_n3A_21 = arith.select %eq3A_20, %cos3A, %sin3A : vector<512x64xi1>, vector<512x64xf32>
    %swap3A = arith.constant 0 : index
    %swap3A_22 = arith.constant 0 : index
    %swap3A_23 = vector.load %arg1[%swap3A, %swap3A_22] : memref<512x64xf32, #tpu.memory_space<vmem>>, vector<512x64xf32>
    tpu.vector_store %arg1[%swap3A, %swap3A_22], %select_n3A_21 {strides = array<i32>} : memref<512x64xf32, #tpu.memory_space<vmem>>, vector<512x64xf32>,
    return
  }
}

</mosaic_0001>

<sc_bundles>
// kernel: kernel.4.cloned.1.call-start
scs
__scs_entry_jumppad:
0x0: {  	(pc) =	sbr.rel $0x88, $3  }
0x1: {  	(tag) =	ssettag $0x0;
	lr =	simm.s32 $0x1  }
0x2: {  	[smem:$0x3F9F] =	sst lr;
	_ =	strace $0xD0000000  }
0x3: {  	_ = 	snop  }
0x4: {  	_ = 	snop  }
0x5: {  	_ = 	snop  }
0x6: {  	_ = 	snop  }
0x7: {  	_ = 	snop  }
__scs_overlays_trampoline_lowered:
0x8: {  	[smem:$0x3FAE] =	sst s0  }
0x9: {  	[smem:$0x3FAF] =	sst s1  }
0xa: {  	[smem:$0x3FB0] =	sst s2  }
0xb: {  	[smem:$0x3FB1] =	sst s3  }
0xc: {  	[smem:$0x3FB2] =	sst s4  }
0xd: {  	[smem:$0x3FB3] =	sst s5  }
0xe: {  	[smem:$0x3FB4] =	sst s6  }
0xf: {  	[smem:$0x3FB5] =	sst s7  }
0x10: {  	[smem:$0x3FB6] =	sst s8  }
0x11: {  	[smem:$0x3FB7] =	sst s9;
	s0 =	simm.s32 @!p0 $0x0  }
0x12: {  	s1 =	sld [smem:$0x3F9D];
	s0 =	simm.s32 @p0 $0x1  }
0x13: {  	[smem:$0x3FB8] =	sst s0;
	s0 =	simm.s32 @!p1 $0x0  }
0x14: {  	s2 =	sld [smem:$0x3F9C];
	s0 =	simm.s32 @p1 $0x1  }
0x15: {  	[smem:$0x3FB9] =	sst s0;
	s0 =	simm.s32 @!p2 $0x0  }
0x16: {  	s3 =	sld [smem:$0x3FDB];
	s0 =	simm.s32 @p2 $0x1  }
0x17: {  	s4 =	simm.s32 $0x1BF5;
	[smem:$0x3FBB] =	sst s0  }
0x18: {  	s0 =	sld [smem:$0x3F9E];
	_ =	swait.ge [sflag:s4], $0x0  }
0x19: {  	s7 =	sld [smem:$0x3F9F]  }
0x1a: {  	s8 =	sadd.s32 $0xFFFFE003, lr  }
0x1b: {  	s9 =	sadd.s32 $0xFFFFFEF7, lr;
	s5 =	simm.s32 $0xFFFFFFFF;
	p2 =	slt.u32 s8, $0xFFFFF086  }
0x1c: {  	p1 =	slt.u32 s9, $0xF7A;
	s5 =	simm.s32 @!p2 $0x0  }
0x1d: {  	s5 =	simm.s32 @p1 $0x1;
	p0 =	seq.s32 s7, s2  }
0x1e: {  	s7 =	smul.u32 @!p0 $0xF7A, s2;
	p2 =	seq.s32 @!p0 s5, $0x0  }
0x1f: {  	s9 =	smul.u32 $0xF7A, s1;
	s8 =	simm.s32 @!p0 $0x1BF5;
	p2 =	por !p2, p0  }
0x20: {  	[sflag:s8] =	ssyncset.s32 @!p0 $0xFFFFF086;
	s6 =	sadd.s32 @!p0 s3, s7;
	s7 =	simm.s32 @!p0 $0x108  }
0x21: {  	s3 =	sadd.s32 s3, s9;
	s6 =	sadd.s32 @!p0 $0x88, s6;
	s7 =	simm.s32 @p2 $0x1082  }
0x22: {  	[simem:s7], [sflag:s8] =	dma.local @!p0 [hbm:s6], $0xF7A  }
0x23: {  	s9 =	sor.u32 $0xD0000000, s2;
	s6 =	simm.s32 $0x108;
	_ =	swait.ge @!p0 [sflag:s8], $0x0  }
0x24: {  	s3 =	sadd.s32 $0x88, s3;
	s6 =	simm.s32 @!p1 $0x1082;
	[sflag:s4] =	ssyncset.s32 $0xFFFFF086  }
0x25: {  	[simem:s6], [sflag:s4] =	dma.local [hbm:s3], $0xF7A  }
0x26: {  	[smem:$0x3F9F] =	sst s1;
	(tag) =	ssettag s2;
	_ =	strace s9  }
0x27: {  	s1 =	sld [smem:$0x3FAF]  }
0x28: {  	s2 =	sld [smem:$0x3FB0]  }
0x29: {  	s4 =	sld [smem:$0x3FB2]  }
0x2a: {  	p0 =	seq.s32 s5, $0x0;
	s5 =	sld [smem:$0x3FB3]  }
0x2b: {  	s6 =	sld [smem:$0x3FB4]  }
0x2c: {  	s7 =	sld [smem:$0x3FB5]  }
0x2d: {  	s3 =	simm.s32 $0x108;
	s8 =	sld [smem:$0x3FB6]  }
0x2e: {  	s3 =	simm.s32 @!p0 $0x1082;
	s9 =	sld [smem:$0x3FB7]  }
0x2f: {  	lr =	sadd.s32 s0, s3;
	s0 =	sld [smem:$0x3FAE]  }
0x30: {  	s3 =	sld [smem:$0x3FB1]  }
0x31: {  	[smem:$0x3FBA] =	sst s10  }
0x32: {  	s10 =	sld [smem:$0x3FB8];
	_ =	sdelay $0x3  }
0x33: {  	p0 =	seq.s32 s10, $0x1;
	s10 =	sld [smem:$0x3FBA];
	_ =	sdelay $0x3  }
0x34: {  	[smem:$0x3FBA] =	sst s10  }
0x35: {  	s10 =	sld [smem:$0x3FB9];
	_ =	sdelay $0x3  }
0x36: {  	p1 =	seq.s32 s10, $0x1;
	s10 =	sld [smem:$0x3FBA];
	_ =	sdelay $0x3  }
0x37: {  	[smem:$0x3FBA] =	sst s10  }
0x38: {  	s10 =	sld [smem:$0x3FBB]  }
0x39: {  	_ = 	snop;
	(pc) =	sbr.ind lr, $3  }
0x3a: {  	_ = 	snop  }
0x3b: {  	_ = 	snop  }
0x3c: {  	p2 =	seq.s32 s10, $0x1;
	s10 =	sld [smem:$0x3FBA]  }
0x3d: {  	_ =	shalt  }
0x3e: {  	_ =	shalt  }
0x3f: {  	_ =	shalt  }
0x40: {  	_ =	shalt  }
0x41: {  	_ =	shalt  }
0x42: {  	_ =	shalt  }
0x43: {  	_ =	shalt  }
0x44: {  	_ =	shalt  }
0x45: {  	_ =	shalt  }
0x46: {  	_ =	shalt  }
0x47: {  	_ =	shalt  }
0x48: {  	_ =	shalt  }
0x49: {  	_ =	shalt  }
0x4a: {  	_ =	shalt  }
0x4b: {  	_ =	shalt  }
0x4c: {  	_ =	shalt  }
0x4d: {  	_ =	shalt  }
0x4e: {  	_ =	shalt  }
0x4f: {  	_ =	shalt  }
0x50: {  	_ =	shalt  }
0x51: {  	_ =	shalt  }
0x52: {  	_ =	shalt  }
0x53: {  	_ =	shalt  }
0x54: {  	_ =	shalt  }
0x55: {  	_ =	shalt  }
0x56: {  	_ =	shalt  }
0x57: {  	_ =	shalt  }
0x58: {  	_ =	shalt  }
0x59: {  	_ =	shalt  }
0x5a: {  	_ =	shalt  }
0x5b: {  	_ =	shalt  }
0x5c: {  	_ =	shalt  }
0x5d: {  	_ =	shalt  }
0x5e: {  	_ =	shalt  }
0x5f: {  	_ =	shalt  }
0x60: {  	_ =	shalt  }
0x61: {  	_ =	shalt  }
0x62: {  	_ =	shalt  }
0x63: {  	_ =	shalt  }
0x64: {  	_ =	shalt  }
0x65: {  	_ =	shalt  }
0x66: {  	_ =	shalt  }
0x67: {  	_ =	shalt  }
0x68: {  	_ =	shalt  }
0x69: {  	_ =	shalt  }
0x6a: {  	_ =	shalt  }
0x6b: {  	_ =	shalt  }
0x6c: {  	_ =	shalt  }
0x6d: {  	_ =	shalt  }
0x6e: {  	_ =	shalt  }
0x6f: {  	_ =	shalt  }
0x70: {  	_ =	shalt  }
0x71: {  	_ =	shalt  }
0x72: {  	_ =	shalt  }
0x73: {  	_ =	shalt  }
0x74: {  	_ =	shalt  }
0x75: {  	_ =	shalt  }
0x76: {  	_ =	shalt  }
0x77: {  	_ =	shalt  }
0x78: {  	_ =	shalt  }
0x79: {  	_ =	shalt  }
0x7a: {  	_ =	shalt  }
0x7b: {  	_ =	shalt  }
0x7c: {  	_ =	shalt  }
0x7d: {  	_ =	shalt  }
0x7e: {  	_ =	shalt  }
0x7f: {  	_ =	shalt  }
0x80: {  	_ =	shalt  }
0x81: {  	_ =	shalt  }
0x82: {  	_ =	shalt  }
0x83: {  	_ =	shalt  }
0x84: {  	_ =	shalt  }
0x85: {  	_ =	shalt  }
0x86: {  	_ =	shalt  }
0x87: {  	_ =	shalt  }
.Lfunc_end0:
.L_simem_size_0:
called_computation_lowered:
.L_overlay_start_0:
0x88: {  	s2 =	sld [smem:$0x3FD9]  }
0x89: {  	s3 =	sld [smem:$0x3FFE];
	_ =	sdelay $0x1  }
0x8a: {  	s1 =	srdreg.scid  }
0x8b: {  	s0 =	sand.u32 $0x1, s1  }
0x8c: {  	s17 =	sshll.u32 s0, $0xA;
	s2 =	sadd.s32 s3, s2  }
0x8d: {  	s2 =	sadd.s32 s2, s17  }
0x8e: {  	[smem:$0x3FC6] =	sst s2  }
0x8f: {  	_ = 	snop  }
0x90: {  	s2 =	sld [smem:$0x3FD0];
	(tm) =	ssettm $0x1  }
0x91: {  	s18 =	sld [smem:$0x3FFB];
	_ =	sdelay $0x3  }
0x92: {  	_ =	strace s18  }
0x93: {  	s3 =	sld [smem:$0x3FFC];
	_ =	sdelay $0x3  }
0x94: {  	_ =	strace s3  }
0x95: {  	s3 =	sld [smem:$0x3FFD];
	_ =	sdelay $0x3  }
0x96: {  	_ =	strace s3  }
0x97: {  	_ =	strace $0x8FFFFFFF  }
0x98: {  	s19 =	sld [smem:$0x3FDB];
	_ =	sdelay $0x1  }
0x99: {  	s4 =	simm.s32 $_scs_section_size  }
0x9a: {  	s5 =	simm.s32 $_size__tile_overlayer_lowered;
	s6 =	simm.s32 $_tile_overlayer_lowered  }
0x9b: {  	s22 =	simm.s32 $0x1BFF;
	s21 =	sshll.u32 s6, $0x1;
	s3 =	sadd.s32 s4, s19  }
0x9c: {  	s7 =	simm.s32 $0x0;
	s20 =	sshll.u32 s5, $0x1;
	s5 =	sadd.s32 s21, s3  }
0x9d: {  	[timem:s7], [sflag:s22] =	dma.local [hbm:s5], s20  }
0x9e: {  	_ =	swait.ge [sflag:s22], s20  }
0x9f: {  	s4 =	ssub.s32 $0x0, s20;
	[sflag:s22] =	ssyncset.done $0x0  }
0xa0: {  	[sflag:s22] =	ssyncadd.s32 s4;
	_ =	sdelay $0x1  }
0xa1: {  	s23 =	simm.s32 $0x1B8B  }
0xa2: {  	_ =	swait.ge [sflag:s23], $0x1  }
0xa3: {  	[sflag:s23] =	ssyncset.done $0x0  }
0xa4: {  	s25 =	simm.s32 $0x1B8E;
	s24 =	sld [smem:$0x3FFE];
	[sflag:s23] =	ssyncadd.s32 $0xFFFFFFFF  }
0xa5: {  	s26 =	simm.s32 $execute0_lowered;
	[smem:$0x3FD2] =	sst s25  }
0xa6: {  	s5 =	sshll.u32 s26, $0x1;
	_ =	strace $0x80000046;
	[dreg:$0x1] =	wrdreg $0xFFFFFFFF  }
0xa7: {  	s28 =	simm.s32 $_size_execute0_lowered;
	s3 =	sadd.s32 s3, s5;
	[dreg:$0x0] =	wrdreg $0x0  }
0xa8: {  	s5 =	sshll.u32 s28, $0x1;
	[dreg:$0x2] =	wrdreg s3  }
0xa9: {  	[dreg:$0x3] =	wrdreg s5  }
0xaa: {  	[dreg:$0x4] =	wrdreg $0xC0  }
0xab: {  	_ =	task [dreg:s7], $0x5FFFF  }
0xac: {  	[dreg:$0x1] =	wrdreg $0xFFFFFFFF  }
0xad: {  	[dreg:$0x0] =	wrdreg $0x60  }
0xae: {  	[dreg:$0x2] =	wrdreg s24  }
0xaf: {  	[dreg:$0x3] =	wrdreg s2  }
0xb0: {  	[dreg:$0x4] =	wrdreg $0x104000  }
0xb1: {  	[dreg:$0x5] =	wrdreg $0x9  }
0xb2: {  	_ =	task.clear_ibuf [dreg:s7], $0x6FFFF;
	_ =	strace $0x90000046  }
0xb3: {  	s29 =	simm.s32 $0x9;
	_ =	strace $0x80000048  }
0xb4: {  	_ =	swait.ge [sflag:s29], $0x1  }
0xb5: {  	[sflag:s29] =	ssyncadd.s32 $0xFFFFFFFF  }
0xb6: {  	_ =	strace $0x90000048  }
0xb7: {  	_ =	sfence  }
0xb8: {  	s30 =	sld [smem:$0x0];
	_ =	sdelay $0x2  }
0xb9: {  	s31 =	sshll.u32 s1, $0xD;
	s1 =	sshrl.u32 s1, $0x2  }
0xba: {  	s3 =	sand.u32 $0x4000, s31;
	s1 =	sadd.s32 s1, s30  }
0xbb: {  	s0 =	sor.u32 s3, s0;
	s1 =	sshll.u32 s1, $0x11  }
0xbc: {  	s0 =	sor.u32 s1, s0  }
0xbd: {  	s0 =	sadd.s32 $0x8F2B, s0  }
0xbe: {  	[sflag:s0] =	ssyncadd.remote.s32 $0x1  }
0xbf: {  	_ =	sfence.sel $0xFFFF  }
0xc0: {  	[dreg:$0x0] =	wrdreg $0xFFFFFFFF;
	(pc) =	sbr.abs _section_cstart, $3  }
0xc1: {  	[dreg:$0x1] =	wrdreg $0xFFFFFFFF  }
0xc2: {  	_ =	task.clear_ibuf [dreg:s7], $0x2FFFF;
	_ =	strace $0x9FFFFFFF  }
0xc3: {  	(tm) =	ssettm $0x7FFFFFFF  }
tec
execute0_lowered:
.L_overlay_start_1:
0x0: {  	(tag) =	ssettag $0x1  }
0x1: {  	s8 =	rddreg [dreg:$0x0]  }
0x2: {  	s12 =	rddreg [dreg:$0x1]  }
0x3: {  	s2 =	rddreg [dreg:$0x2]  }
0x4: {  	s0 =	rddreg [dreg:$0x3]  }
0x5: {  	s3 =	simm.s32 $0x0;
	s1 =	stileid.u32;
	s5 =	srdreg.scid  }
0x6: {  	[smem:$0x7FF] =	sst s3;
	s4 =	sshll.u32 s1, $0xB;
	s13 =	sand.u32 $0x1, s5  }
0x7: {  	s29 =	sshll.u32 s1, $0x1;
	s30 =	sshll.u32 s1, $0xE;
	p0 =	sgt.u32 s1, $0x1  }
0x8: {  	_ =	strace $0x80000047;
	s4 =	sadd.s32 s4, s8;
	s14 =	sor.u32 s13, s29  }
0x9: {  	s6 =	sadd.s32 s30, s2;
	s5 =	sshll.u32 @!p0 s1, $0x6;
	s7 =	simm.s32 @!p0 $0x3  }
0xa: {  	s4 =	sadd.s32 $0x1400, s4;
	s5 =	sor.u32 @!p0 $0x1C03, s5;
	s6 =	sshrl.u32 @!p0 s6, $0x3  }
0xb: {  	[spmem:s6], [sflag:s5] =	dma.local @!p0 [hbm:s4], $0x800  }
0xc: {  	s9 =	sshll.u32 s14, $0x7;
	_ =	swait.ge @!p0 [sflag:s7], $0x800  }
0xd: {  	s8 =	sadd.s32 s9, s8;
	[sflag:s7] =	ssyncset.done @!p0 $0x0  }
0xe: {  	s9 =	simm.s32 $0x3;
	s8 =	sadd.s32 $0x400, s8;
	[sflag:s7] =	ssyncadd.s32 @!p0 $0xFFFFF800  }
0xf: {  	[tilespmem:s3], [sflag:$0x3] =	stream.linear.gather [hbm4b:s8+s3], $0x400, $0x38;
	[tilespmem:$0x10C00] =	vst v63  }
0x10: {  	_ =	swait.ge [sflag:s9], $0x400  }
0x11: {  	s10 =	simm.s32 $0x400;
	s11 =	simm.s32 $0x1;
	[sflag:s9] =	ssyncset.done $0x0  }
0x12: {  	s17 =	simm.s32 $0x8400;
	s18 =	ssub.s32 $0x2, s13;
	[sflag:s9] =	ssyncadd.s32 $0xFFFFFC00  }
0x13: {  	s13 =	simm.s32 $0x40;
	s19 =	sshrl.u32 s18, $0x1;
	[bflag:$0x0] =	sbarrier.arrive $0xFFFF  }
0x14: {  	[tilespmem:s10], [sflag:$0x1] =	stream.indirect.gather [spmem:s2], $0x40, s3, s10, $0xb8;
	[tilespmem:$0x10C00] =	vst v63  }
0x15: {  	s31 =	sshll.u32 s14, $0xD;
	s18 =	ssub.s32 s18, s19;
	_ =	swait.ge [sflag:s11], $0x10000  }
0x16: {  	s14 =	simm.s32 $0x80;
	s18 =	smax.u32 s18, $0x1;
	[sflag:s11] =	ssyncset.done $0x0  }
0x17: {  	s12 =	sadd.s32 s12, s31;
	s18 =	sadd.s32 $0xFFFFFFFF, s18;
	[sflag:s11] =	ssyncadd.s32 $0xFFFF0000  }
0x18: {  	[hbm4b:s12+s13] =	stream.strided.scatter [tilespmem:s10], [sflag:$0x2], $0x8000, s14, s13, $0x38;
	[tilespmem:$0x10C00] =	vst v63  }
0x19: {  	s16 =	simm.s32 $0x2;
	s15 =	sadd.s32 $0x8, s12;
	p1 =	sne.s32 s18, $0x0  }
0x1a: {  	[hbm4b:s15+s13] =	stream.strided.scatter [tilespmem:s17], [sflag:$0x2], $0x8000, s14, s13, $0x38;
	[tilespmem:$0x10C00] =	vst v63  }
.Ltmp0:
0x1b: {  	_ =	swait.ge [sflag:s16], $0x8000;
	(pc) =	sbr.rel @!p1 .LBB2_2-.Ltmp0, $4  }
0x1c: {  	[sflag:s16] =	ssyncset.done $0x0  }
0x1d: {  	[sflag:s16] =	ssyncadd.s32 $0xFFFF8000  }
0x1e: {  	_ =	swait.ge [sflag:s16], $0x8000  }
0x1f: {  	[sflag:s16] =	ssyncset.done $0x0  }
.LBB2_1:
0x20: {  	s18 =	sadd.s32 $0xFFFFFFFF, s18;
	[sflag:s16] =	ssyncadd.s32 $0xFFFF8000  }
0x21: {  	[spmem:s6], [sflag:s5] =	dma.local @!p0 [hbm:s4], $0x800  }
0x22: {  	p1 =	sne.s32 s18, $0x0;
	_ =	swait.ge @!p0 [sflag:s7], $0x800  }
0x23: {  	[sflag:s7] =	ssyncset.done @!p0 $0x0  }
0x24: {  	[sflag:s7] =	ssyncadd.s32 @!p0 $0xFFFFF800  }
0x25: {  	[tilespmem:s3], [sflag:$0x3] =	stream.linear.gather [hbm4b:s8+s3], $0x400, $0x38;
	[tilespmem:$0x10C00] =	vst v63  }
0x26: {  	_ =	swait.ge [sflag:s9], $0x400  }
0x27: {  	[sflag:s9] =	ssyncset.done $0x0  }
0x28: {  	[sflag:s9] =	ssyncadd.s32 $0xFFFFFC00  }
0x29: {  	[bflag:$0x0] =	sbarrier.arrive $0xFFFF  }
0x2a: {  	[tilespmem:s10], [sflag:$0x1] =	stream.indirect.gather [spmem:s2], $0x40, s3, s10, $0xb8;
	[tilespmem:$0x10C00] =	vst v63  }
0x2b: {  	_ =	swait.ge [sflag:s11], $0x10000  }
0x2c: {  	[sflag:s11] =	ssyncset.done $0x0  }
0x2d: {  	[sflag:s11] =	ssyncadd.s32 $0xFFFF0000  }
0x2e: {  	[hbm4b:s12+s13] =	stream.strided.scatter [tilespmem:s10], [sflag:$0x2], $0x8000, s14, s13, $0x38;
	[tilespmem:$0x10C00] =	vst v63  }
0x2f: {  	_ = 	snop  }
0x30: {  	[hbm4b:s15+s13] =	stream.strided.scatter [tilespmem:s17], [sflag:$0x2], $0x8000, s14, s13, $0x38;
	[tilespmem:$0x10C00] =	vst v63  }
.Ltmp1:
0x31: {  	_ =	swait.ge [sflag:s16], $0x8000;
	(pc) =	sbr.rel @p1 .LBB2_1-.Ltmp1, $4  }
0x32: {  	[sflag:s16] =	ssyncset.done $0x0  }
0x33: {  	[sflag:s16] =	ssyncadd.s32 $0xFFFF8000  }
0x34: {  	_ =	swait.ge [sflag:s16], $0x8000  }
0x35: {  	[sflag:s16] =	ssyncset.done $0x0  }
.LBB2_2:
0x36: {  	[sflag:s16] =	ssyncadd.s32 $0xFFFF8000  }
0x37: {  	_ =	sfence.sel $0x180000  }
0x38: {  	[bflag:$0x0] =	sbarrier.arrive $0xFFFF  }
0x39: {  	p0 =	sne.s32 s1, $0x0;
	_ =	strace $0x90000047  }
0x3a: {  	s0 =	sadd.s32 @!p0 $0x100000, s0;
	[bflag:$0x2] =	sbarrier.arrive $0xFFFF  }
0x3b: {  	[sflag:s0] =	ssyncadd.tile.s32 @!p0 $0x1;
	_ =	shalt  }
.Lfunc_end2:
_tile_overlayer_lowered:
.L_overlay_start_2:
0x3c: {  	(tag) =	ssettag $0x2  }
0x3d: {  	s0 =	rddreg [dreg:$0x0];
	s2 =	stileid.u32  }
0x3e: {  	s1 =	rddreg [dreg:$0x1];
	p0 =	sne.s32 s2, $0x0  }
0x3f: {  	s3 =	rddreg [dreg:$0x2];
	[bflag:$0x3] =	sbarrier.arrive $0xFFFF;
	s2 =	simm.s32 @!p0 $0x1C03  }
0x40: {  	[timem:s3], [sflag:s2] =	dma.local @!p0 [hbm:s0], s1  }
0x41: {  	s0 =	simm.s32 @!p0 $0x3  }
0x42: {  	_ =	swait.ge @!p0 [sflag:s0], s1  }
0x43: {  	s1 =	ssub.s32 @!p0 $0x0, s1;
	[sflag:s0] =	ssyncset.done @!p0 $0x0  }
0x44: {  	[sflag:s0] =	ssyncadd.s32 @!p0 s1  }
0x45: {  	[bflag:$0x3] =	sbarrier.arrive $0xFFFF  }
0x46: {  	_ =	shalt  }

</sc_bundles>
